<compile_context>
chip_gen: v7x
topology: tpu7x:2x2x1
jax: 0.10.2.dev20260603
libtpu: 0.0.44.dev20260713+nightly
codegen_flags: <defaults>
</compile_context>

<pallas_src>
import functools

import jax
import jax.numpy as jnp
from jax import lax
from jax.experimental import pallas as pl
from jax.experimental.pallas import tpu as pltpu
from jax.experimental.pallas import tpu_sc as plsc

E_EDGES = 320000
DIM = 128
LANES = 16
ROW_BLOCK = 2048
N_PAD = 10240


def _scores_body(xm_ref, xd_ref, wm_ref, wd_ref, wc_ref,
                 bm_ref, bd_ref, b0_ref, om_ref, od_ref):
    f32 = jnp.float32
    wcm = wc_ref[pl.ds(0, DIM), :]
    wcd = wc_ref[pl.ds(DIM, DIM), :]
    vm = jnp.dot(wm_ref[:], wcm, preferred_element_type=f32)
    vd = jnp.dot(wd_ref[:], wcd, preferred_element_type=f32)
    cm = jnp.dot(bm_ref[:], wcm, preferred_element_type=f32)
    cd = jnp.dot(bd_ref[:], wcd, preferred_element_type=f32)
    dn = (((0,), (1,)), ((), ()))
    sm = lax.dot_general(vm, xm_ref[:], dn, preferred_element_type=f32)
    sd = lax.dot_general(vd, xd_ref[:], dn, preferred_element_type=f32)
    om_ref[:] = (sm + cm + b0_ref[:]).reshape(1, 1, ROW_BLOCK)
    od_ref[:] = (sd + cd).reshape(1, 1, ROW_BLOCK)


def _node_scores(xm, xd, wm, wd, wc, bm, bd, b0):
    fm, fd = xm.shape[1], xd.shape[1]
    nb = N_PAD // ROW_BLOCK
    return pl.pallas_call(
        _scores_body,
        grid=(nb,),
        in_specs=[
            pl.BlockSpec((ROW_BLOCK, fm), lambda i: (i, 0)),
            pl.BlockSpec((ROW_BLOCK, fd), lambda i: (i, 0)),
            pl.BlockSpec((fm, DIM), lambda i: (0, 0)),
            pl.BlockSpec((fd, DIM), lambda i: (0, 0)),
            pl.BlockSpec((2 * DIM, 1), lambda i: (0, 0)),
            pl.BlockSpec((1, DIM), lambda i: (0, 0)),
            pl.BlockSpec((1, DIM), lambda i: (0, 0)),
            pl.BlockSpec((1, 1), lambda i: (0, 0)),
        ],
        out_specs=[
            pl.BlockSpec((1, 1, ROW_BLOCK), lambda i: (i, 0, 0)),
            pl.BlockSpec((1, 1, ROW_BLOCK), lambda i: (i, 0, 0)),
        ],
        out_shape=[
            jax.ShapeDtypeStruct((nb, 1, ROW_BLOCK), jnp.float32),
            jax.ShapeDtypeStruct((nb, 1, ROW_BLOCK), jnp.float32),
        ],
    )(xm, xd, wm, wd, wc, bm, bd, b0)


N_TILES = E_EDGES // 128
TILES_PER_W = 79
CHUNKS_PER_W = TILES_PER_W * 8


def _edge_body(sm_hbm, sd_hbm, ei_hbm, out_hbm,
               sm_v, sd_v, src_v, dst_v, out_v, sem):
    wid = lax.axis_index("s") * 2 + lax.axis_index("c")
    rem = N_TILES - 32 * (N_TILES // 32)
    start = jnp.minimum(wid * (N_TILES // 32) + jnp.minimum(wid, rem),
                        N_TILES - TILES_PER_W)
    c1 = pltpu.async_copy(sm_hbm, sm_v, sem)
    c2 = pltpu.async_copy(sd_hbm, sd_v, sem)
    c3 = pltpu.async_copy(ei_hbm.at[pl.ds(start, TILES_PER_W), pl.ds(0, 1), :],
                          src_v, sem)
    c4 = pltpu.async_copy(ei_hbm.at[pl.ds(start, TILES_PER_W), pl.ds(1, 1), :],
                          dst_v, sem)
    c1.wait()
    c2.wait()
    c3.wait()
    c4.wait()

    @plsc.parallel_loop(0, CHUNKS_PER_W, unroll=4)
    def body(i):
        t = i >> 3
        off = (i & 7) * LANES
        si = src_v[t, 0, pl.ds(off, LANES)]
        di = dst_v[t, 0, pl.ds(off, LANES)]
        a = plsc.load_gather(sm_v, [si])
        b = plsc.load_gather(sd_v, [di])
        z = a + b
        out_v[pl.ds(i * LANES, LANES)] = 1.0 / (1.0 + jnp.exp(-z))
    pltpu.sync_copy(out_v, out_hbm.at[pl.ds(start * 128, TILES_PER_W * 128)])


@functools.cache
def _edge_kernel():
    return pl.kernel(
        _edge_body,
        mesh=plsc.VectorSubcoreMesh(core_axis_name="c", subcore_axis_name="s"),
        compiler_params=pltpu.CompilerParams(
            needs_layout_passes=False, use_tc_tiling_on_sc=False),
        out_type=jax.ShapeDtypeStruct((E_EDGES,), jnp.float32),
        scratch_types=[
            pltpu.VMEM((N_PAD,), jnp.float32),
            pltpu.VMEM((N_PAD,), jnp.float32),
            pltpu.VMEM((TILES_PER_W, 1, 128), jnp.int32),
            pltpu.VMEM((TILES_PER_W, 1, 128), jnp.int32),
            pltpu.VMEM((TILES_PER_W * 128,), jnp.float32),
            pltpu.SemaphoreType.DMA,
        ],
    )


def kernel(x_mirna, x_disease, edge_label_index, W_mirna, b_mirna,
           W_disease, b_disease, W_cls, b_cls):
    b0 = b_cls.astype(jnp.float32).reshape(1, 1)
    s_m, s_d = _node_scores(x_mirna, x_disease, W_mirna, W_disease,
                            W_cls, b_mirna.reshape(1, DIM),
                            b_disease.reshape(1, DIM), b0)
    ei = edge_label_index.astype(jnp.int32)
    ei3 = ei.reshape(2, N_TILES, 128).transpose(1, 0, 2)
    return _edge_kernel()(s_m.reshape(-1), s_d.reshape(-1), ei3)

# --- scband reference (transcript-rebuilt; emitter-appended) ---
"""Pipeline reference for scband-model-89429809037459 (READ-ONLY COPY).

The authoritative reference and input builder live on the scoring server;
editing this copy changes nothing except your own understanding.
"""

import jax, jax.numpy as jnp
import numpy as np

N_MIRNA = 10000
N_DISEASE = 10000
E = 320000
DIM = 128


def setup_inputs(seed: int = 0) -> dict:
    key = jax.random.key(seed)
    k = jax.random.split(key, 10)
    x_mirna = jax.random.normal(k[0], (N_MIRNA, 640), dtype=jnp.float32)
    x_disease = jax.random.normal(k[1], (N_DISEASE, 768), dtype=jnp.float32)
    ei_src = jax.random.randint(k[2], (1, E), 0, N_MIRNA, dtype=jnp.int64)
    ei_dst = jax.random.randint(k[3], (1, E), 0, N_DISEASE, dtype=jnp.int64)
    edge_label_index = jnp.concatenate([ei_src, ei_dst], axis=0)
    # learned parameters (kaiming-ish init like nn.Linear)
    W_mirna = jax.random.normal(k[4], (640, DIM), dtype=jnp.float32) * (1.0 / np.sqrt(640))
    b_mirna = jnp.zeros((DIM,), dtype=jnp.float32)
    W_disease = jax.random.normal(k[5], (768, DIM), dtype=jnp.float32) * (1.0 / np.sqrt(768))
    b_disease = jnp.zeros((DIM,), dtype=jnp.float32)
    W_cls = jax.random.normal(k[6], (2 * DIM, 1), dtype=jnp.float32) * (1.0 / np.sqrt(2 * DIM))
    b_cls = jnp.zeros((1,), dtype=jnp.float32)
    return {
        "x_mirna": x_mirna,
        "x_disease": x_disease,
        "edge_label_index": edge_label_index,
        "W_mirna": W_mirna,
        "b_mirna": b_mirna,
        "W_disease": W_disease,
        "b_disease": b_disease,
        "W_cls": W_cls,
        "b_cls": b_cls,
    }


def reference(x_mirna, x_disease, edge_label_index, W_mirna, b_mirna, W_disease, b_disease, W_cls, b_cls):
    # Embedding (feature_ablation_type == 1 -> no GNN convs)
    m = x_mirna @ W_mirna + b_mirna          # [N_mirna, dim]
    d = x_disease @ W_disease + b_disease    # [N_disease, dim]
    # Classifier: gather endpoint features per label edge
    ef_m = jnp.take(m, edge_label_index[0], axis=0)   # [E, dim]
    ef_d = jnp.take(d, edge_label_index[1], axis=0)   # [E, dim]
    ef = jnp.concatenate([ef_m, ef_d], axis=1)        # [E, 2*dim]
    logits = ef @ W_cls + b_cls                       # [E, 1]
    pred = jax.nn.sigmoid(logits).squeeze(-1)         # [E]
    return pred

if __name__ == "__main__":
    import jax
    _d = setup_inputs()
    print(jax.jit(kernel)(*tuple(_d.values())))

</pallas_src>

<mosaic_0001>
#map = affine_map<(d0, d1) -> (0)>
#map1 = affine_map<(d0, d1) -> (0, 0, 0)>
module attributes {stable_mosaic.version = 14 : i64} {
  func.func @_edge_body(%arg0: i32, %arg1: i32, %arg2: memref<10240xf32, #tpu.memory_space<hbm>>, %arg3: memref<10240xf32, #tpu.memory_space<hbm>>, %arg4: memref<2500x2x128xi32, #tpu.memory_space<hbm>>, %arg5: memref<320000xf32, #tpu.memory_space<hbm>>, %arg6: memref<10240xf32, #tpu.memory_space<vmem>>, %arg7: memref<10240xf32, #tpu.memory_space<vmem>>, %arg8: memref<79x1x128xi32, #tpu.memory_space<vmem>>, %arg9: memref<79x1x128xi32, #tpu.memory_space<vmem>>, %arg10: memref<10112xf32, #tpu.memory_space<vmem>>, %arg11: memref<!tpu.dma_semaphore, #tpu.memory_space<semaphore_mem>>) attributes {dimension_semantics = [#tpu.dimension_semantics<core_parallel>, #tpu.dimension_semantics<subcore_parallel>], iteration_bounds = array<i64: 2, 16>, scalar_prefetch = 0 : i64, scratch_operands = 6 : i64, tpu.core_type = #tpu.core_type<sc_vector_subcore>, window_params = [{transform_indices = #map}, {transform_indices = #map}, {transform_indices = #map1}, {transform_indices = #map}]} {
    %mul3A = arith.constant 2 : i32
    %mul3A_0 = arith.muli %arg1, %mul3A : i32
    %add3A = arith.addi %mul3A_0, %arg0 : i32
    %mul3A_1 = arith.constant 78 : i32
    %mul3A_2 = arith.muli %add3A, %mul3A_1 : i32
    %min3A = arith.constant 4 : i32
    %min3A_3 = arith.minsi %add3A, %min3A : i32
    %add3A_4 = arith.addi %mul3A_2, %min3A_3 : i32
    %min3A_5 = arith.constant 2421 : i32
    %min3A_6 = arith.minsi %add3A_4, %min3A_5 : i32
    tpu.enqueue_dma source(%arg2 : memref<10240xf32, #tpu.memory_space<hbm>>) target(%arg6 : memref<10240xf32, #tpu.memory_space<vmem>>) target_semaphore(%arg11 : memref<!tpu.dma_semaphore, #tpu.memory_space<semaphore_mem>>)
    tpu.enqueue_dma source(%arg3 : memref<10240xf32, #tpu.memory_space<hbm>>) target(%arg7 : memref<10240xf32, #tpu.memory_space<vmem>>) target_semaphore(%arg11 : memref<!tpu.dma_semaphore, #tpu.memory_space<semaphore_mem>>)
    %dma_start3A = arith.constant 0 : i32
    %dma_start3A_7 = arith.constant 0 : i32
    %dma_start3A_8 = tpu.memref_slice %arg4[%min3A_6, %dma_start3A, %dma_start3A_7] : memref<2500x2x128xi32, #tpu.memory_space<hbm>> -> memref<79x1x128xi32, #tpu.memory_space<hbm>>
    %dma_start3A_9 = arith.constant 0 : i32
    %dma_start3A_10 = arith.constant 0 : i32
    %dma_start3A_11 = tpu.memref_slice %arg4[%min3A_6, %dma_start3A_9, %dma_start3A_10] : memref<2500x2x128xi32, #tpu.memory_space<hbm>> -> memref<79x1x128xi32, #tpu.memory_space<hbm>>
    tpu.enqueue_dma source(%dma_start3A_11 : memref<79x1x128xi32, #tpu.memory_space<hbm>>) target(%arg8 : memref<79x1x128xi32, #tpu.memory_space<vmem>>) target_semaphore(%arg11 : memref<!tpu.dma_semaphore, #tpu.memory_space<semaphore_mem>>)
    %dma_start3A_12 = arith.constant 1 : i32
    %dma_start3A_13 = arith.constant 0 : i32
    %dma_start3A_14 = tpu.memref_slice %arg4[%min3A_6, %dma_start3A_12, %dma_start3A_13] : memref<2500x2x128xi32, #tpu.memory_space<hbm>> -> memref<79x1x128xi32, #tpu.memory_space<hbm>>
    %dma_start3A_15 = arith.constant 1 : i32
    %dma_start3A_16 = arith.constant 0 : i32
    %dma_start3A_17 = tpu.memref_slice %arg4[%min3A_6, %dma_start3A_15, %dma_start3A_16] : memref<2500x2x128xi32, #tpu.memory_space<hbm>> -> memref<79x1x128xi32, #tpu.memory_space<hbm>>
    tpu.enqueue_dma source(%dma_start3A_17 : memref<79x1x128xi32, #tpu.memory_space<hbm>>) target(%arg9 : memref<79x1x128xi32, #tpu.memory_space<vmem>>) target_semaphore(%arg11 : memref<!tpu.dma_semaphore, #tpu.memory_space<semaphore_mem>>)
    tpu.wait_dma2 semaphore(%arg11 : memref<!tpu.dma_semaphore, #tpu.memory_space<semaphore_mem>>) src(%arg2 : memref<10240xf32, #tpu.memory_space<hbm>>) dst(%arg6 : memref<10240xf32, #tpu.memory_space<vmem>>)
    tpu.wait_dma2 semaphore(%arg11 : memref<!tpu.dma_semaphore, #tpu.memory_space<semaphore_mem>>) src(%arg3 : memref<10240xf32, #tpu.memory_space<hbm>>) dst(%arg7 : memref<10240xf32, #tpu.memory_space<vmem>>)
    %dma_wait3A = arith.constant 0 : i32
    %dma_wait3A_18 = arith.constant 0 : i32
    %dma_wait3A_19 = tpu.memref_slice %arg4[%min3A_6, %dma_wait3A, %dma_wait3A_18] : memref<2500x2x128xi32, #tpu.memory_space<hbm>> -> memref<79x1x128xi32, #tpu.memory_space<hbm>>
    %dma_wait3A_20 = arith.constant 0 : i32
    %dma_wait3A_21 = arith.constant 0 : i32
    %dma_wait3A_22 = tpu.memref_slice %arg4[%min3A_6, %dma_wait3A_20, %dma_wait3A_21] : memref<2500x2x128xi32, #tpu.memory_space<hbm>> -> memref<79x1x128xi32, #tpu.memory_space<hbm>>
    tpu.wait_dma2 semaphore(%arg11 : memref<!tpu.dma_semaphore, #tpu.memory_space<semaphore_mem>>) src(%dma_wait3A_22 : memref<79x1x128xi32, #tpu.memory_space<hbm>>) dst(%arg8 : memref<79x1x128xi32, #tpu.memory_space<vmem>>)
    %dma_wait3A_23 = arith.constant 1 : i32
    %dma_wait3A_24 = arith.constant 0 : i32
    %dma_wait3A_25 = tpu.memref_slice %arg4[%min3A_6, %dma_wait3A_23, %dma_wait3A_24] : memref<2500x2x128xi32, #tpu.memory_space<hbm>> -> memref<79x1x128xi32, #tpu.memory_space<hbm>>
    %dma_wait3A_26 = arith.constant 1 : i32
    %dma_wait3A_27 = arith.constant 0 : i32
    %dma_wait3A_28 = tpu.memref_slice %arg4[%min3A_6, %dma_wait3A_26, %dma_wait3A_27] : memref<2500x2x128xi32, #tpu.memory_space<hbm>> -> memref<79x1x128xi32, #tpu.memory_space<hbm>>
    tpu.wait_dma2 semaphore(%arg11 : memref<!tpu.dma_semaphore, #tpu.memory_space<semaphore_mem>>) src(%dma_wait3A_28 : memref<79x1x128xi32, #tpu.memory_space<hbm>>) dst(%arg9 : memref<79x1x128xi32, #tpu.memory_space<vmem>>)
    %parallel_loop3A = arith.constant 0 : i32
    %parallel_loop3A_29 = arith.constant 632 : i32
    %parallel_loop3A_30 = arith.constant 1 : i32
    scf.for %parallel_loop3A_33 = %parallel_loop3A to %parallel_loop3A_29 step %parallel_loop3A_30  : i32 {
      %parallel_loop3A_34 = arith.constant 3 : i32
      %parallel_loop3A_35 = arith.shrsi %parallel_loop3A_33, %parallel_loop3A_34 : i32
      %parallel_loop3A_36 = arith.constant 7 : i32
      %parallel_loop3A_37 = arith.andi %parallel_loop3A_33, %parallel_loop3A_36 : i32
      %parallel_loop3A_38 = arith.constant 16 : i32
      %parallel_loop3A_39 = arith.muli %parallel_loop3A_37, %parallel_loop3A_38 : i32
      %parallel_loop3A_40 = arith.constant 0 : i32
      %parallel_loop3A_41 = arith.index_cast %parallel_loop3A_35 : i32 to index
      %parallel_loop3A_42 = arith.index_cast %parallel_loop3A_40 : i32 to index
      %parallel_loop3A_43 = arith.index_cast %parallel_loop3A_39 : i32 to index
      %parallel_loop3A_44 = tpu.vector_load %arg8[%parallel_loop3A_41, %parallel_loop3A_42, %parallel_loop3A_43] {strides = array<i32>} : memref<79x1x128xi32, #tpu.memory_space<vmem>>, vector<16xi32>,
      %parallel_loop3A_45 = arith.constant 0 : i32
      %parallel_loop3A_46 = arith.index_cast %parallel_loop3A_35 : i32 to index
      %parallel_loop3A_47 = arith.index_cast %parallel_loop3A_45 : i32 to index
      %parallel_loop3A_48 = arith.index_cast %parallel_loop3A_39 : i32 to index
      %parallel_loop3A_49 = tpu.vector_load %arg9[%parallel_loop3A_46, %parallel_loop3A_47, %parallel_loop3A_48] {strides = array<i32>} : memref<79x1x128xi32, #tpu.memory_space<vmem>>, vector<16xi32>,
      %parallel_loop3A_50 = tpu.vector_load_idx %arg6[%parallel_loop3A_44] : memref<10240xf32, #tpu.memory_space<vmem>>[vector<16xi32>], vector<16xf32>,
      %parallel_loop3A_51 = tpu.vector_load_idx %arg7[%parallel_loop3A_49] : memref<10240xf32, #tpu.memory_space<vmem>>[vector<16xi32>], vector<16xf32>,
      %parallel_loop3A_52 = arith.addf %parallel_loop3A_50, %parallel_loop3A_51 : vector<16xf32>
      %parallel_loop3A_53 = arith.constant 0.000000e+00 : f32
      %parallel_loop3A_54 = vector.broadcast %parallel_loop3A_53 : f32 to vector<16xf32>
      %parallel_loop3A_55 = arith.subf %parallel_loop3A_54, %parallel_loop3A_52 : vector<16xf32>
      %parallel_loop3A_56 = math.exp %parallel_loop3A_55 : vector<16xf32>
      %parallel_loop3A_57 = arith.constant 1.000000e+00 : f32
      %parallel_loop3A_58 = vector.broadcast %parallel_loop3A_57 : f32 to vector<16xf32>
      %parallel_loop3A_59 = arith.addf %parallel_loop3A_58, %parallel_loop3A_56 : vector<16xf32>
      %parallel_loop3A_60 = arith.constant 1.000000e+00 : f32
      %parallel_loop3A_61 = vector.broadcast %parallel_loop3A_60 : f32 to vector<16xf32>
      %parallel_loop3A_62 = arith.divf %parallel_loop3A_61, %parallel_loop3A_59 : vector<16xf32>
      %parallel_loop3A_63 = arith.constant 16 : i32
      %parallel_loop3A_64 = arith.muli %parallel_loop3A_33, %parallel_loop3A_63 : i32
      %parallel_loop3A_65 = arith.index_cast %parallel_loop3A_64 : i32 to index
      %parallel_loop3A_66 = tpu.vector_load %arg10[%parallel_loop3A_65] {strides = array<i32>} : memref<10112xf32, #tpu.memory_space<vmem>>, vector<16xf32>,
      tpu.vector_store %arg10[%parallel_loop3A_65], %parallel_loop3A_62 {strides = array<i32>} : memref<10112xf32, #tpu.memory_space<vmem>>, vector<16xf32>,
    } {sc.loop_unroll_factor = 4 : i64, sc.parallel_access}
    %mul3A_31 = arith.constant 128 : i32
    %mul3A_32 = arith.muli %min3A_6, %mul3A_31 : i32
    "tpu.region"() ({
      %run_scoped3A = tpu.sem_alloc : memref<!tpu.dma_semaphore, #tpu.memory_space<semaphore_mem>>
      %dma_start3A_33 = tpu.memref_slice %arg5[%mul3A_32] : memref<320000xf32, #tpu.memory_space<hbm>> -> memref<10112xf32, #tpu.memory_space<hbm>>
      %dma_start3A_34 = tpu.memref_slice %arg5[%mul3A_32] : memref<320000xf32, #tpu.memory_space<hbm>> -> memref<10112xf32, #tpu.memory_space<hbm>>
      tpu.enqueue_dma source(%arg10 : memref<10112xf32, #tpu.memory_space<vmem>>) target(%dma_start3A_34 : memref<10112xf32, #tpu.memory_space<hbm>>) target_semaphore(%run_scoped3A : memref<!tpu.dma_semaphore, #tpu.memory_space<semaphore_mem>>)
      %dma_wait3A_35 = tpu.memref_slice %arg5[%mul3A_32] : memref<320000xf32, #tpu.memory_space<hbm>> -> memref<10112xf32, #tpu.memory_space<hbm>>
      %dma_wait3A_36 = tpu.memref_slice %arg5[%mul3A_32] : memref<320000xf32, #tpu.memory_space<hbm>> -> memref<10112xf32, #tpu.memory_space<hbm>>
      tpu.wait_dma2 semaphore(%run_scoped3A : memref<!tpu.dma_semaphore, #tpu.memory_space<semaphore_mem>>) src(%arg10 : memref<10112xf32, #tpu.memory_space<vmem>>) dst(%dma_wait3A_36 : memref<10112xf32, #tpu.memory_space<hbm>>)
      tpu.yield
    }) : () -> ()
    return
  }
}

module attributes {stable_mosaic.version = 14 : i64} {
  func.func @_scores_body(%arg0: i32, %arg1: memref<2048x640xf32, #tpu.memory_space<vmem>>, %arg2: memref<2048x768xf32, #tpu.memory_space<vmem>>, %arg3: memref<640x128xf32, #tpu.memory_space<vmem>>, %arg4: memref<768x128xf32, #tpu.memory_space<vmem>>, %arg5: memref<256x1xf32, #tpu.memory_space<vmem>>, %arg6: memref<1x128xf32, #tpu.memory_space<vmem>>, %arg7: memref<1x128xf32, #tpu.memory_space<vmem>>, %arg8: memref<1x1xf32, #tpu.memory_space<vmem>>, %arg9: memref<1x1x2048xf32, #tpu.memory_space<vmem>>, %arg10: memref<1x1x2048xf32, #tpu.memory_space<vmem>>) attributes {dimension_semantics = [#tpu.dimension_semantics<arbitrary>], iteration_bounds = array<i64: 5>, scalar_prefetch = 0 : i64, scratch_operands = 0 : i64, tpu.core_type = #tpu.core_type<tc>, window_params = [{transform_indices = @transform_0, window_bounds = array<i64: 2048, 640>}, {transform_indices = @transform_1, window_bounds = array<i64: 2048, 768>}, {pipeline_mode = #tpu.pipeline_mode<synchronous>, transform_indices = @transform_2, window_bounds = array<i64: 640, 128>}, {pipeline_mode = #tpu.pipeline_mode<synchronous>, transform_indices = @transform_3, window_bounds = array<i64: 768, 128>}, {pipeline_mode = #tpu.pipeline_mode<synchronous>, transform_indices = @transform_4, window_bounds = array<i64: 256, 1>}, {pipeline_mode = #tpu.pipeline_mode<synchronous>, transform_indices = @transform_5, window_bounds = array<i64: 1, 128>}, {pipeline_mode = #tpu.pipeline_mode<synchronous>, transform_indices = @transform_6, window_bounds = array<i64: 1, 128>}, {pipeline_mode = #tpu.pipeline_mode<synchronous>, transform_indices = @transform_7, window_bounds = array<i64: 1, 1>}, {transform_indices = @transform_8, window_bounds = array<i64: 1, 1, 2048>}, {transform_indices = @transform_9, window_bounds = array<i64: 1, 1, 2048>}]} {
    %get3A = arith.constant 0 : index
    %get3A_0 = arith.constant 0 : index
    %get3A_1 = vector.load %arg5[%get3A, %get3A_0] : memref<256x1xf32, #tpu.memory_space<vmem>>, vector<128x1xf32>
    %get3A_2 = arith.constant 128 : index
    %get3A_3 = arith.constant 0 : index
    %get3A_4 = vector.load %arg5[%get3A_2, %get3A_3] : memref<256x1xf32, #tpu.memory_space<vmem>>, vector<128x1xf32>
    %get3A_5 = arith.constant 0 : index
    %get3A_6 = arith.constant 0 : index
    %get3A_7 = vector.load %arg3[%get3A_5, %get3A_6] : memref<640x128xf32, #tpu.memory_space<vmem>>, vector<640x128xf32>
    %dot_general3A = arith.constant dense<0.000000e+00> : vector<640x1xf32>
    %dot_general3A_8 = tpu.matmul %get3A_7, %get3A_1, %dot_general3A {dimension_numbers = #tpu.dot_dimension_numbers<[1], [0], [0], [1], [0, 0, 1, 1], [], []>, transpose_lhs_hint = false} : vector<640x128xf32>, vector<128x1xf32>, vector<640x1xf32> -> vector<640x1xf32>
    %get3A_9 = arith.constant 0 : index
    %get3A_10 = arith.constant 0 : index
    %get3A_11 = vector.load %arg4[%get3A_9, %get3A_10] : memref<768x128xf32, #tpu.memory_space<vmem>>, vector<768x128xf32>
    %dot_general3A_12 = arith.constant dense<0.000000e+00> : vector<768x1xf32>
    %dot_general3A_13 = tpu.matmul %get3A_11, %get3A_4, %dot_general3A_12 {dimension_numbers = #tpu.dot_dimension_numbers<[1], [0], [0], [1], [0, 0, 1, 1], [], []>, transpose_lhs_hint = false} : vector<768x128xf32>, vector<128x1xf32>, vector<768x1xf32> -> vector<768x1xf32>
    %get3A_14 = arith.constant 0 : index
    %get3A_15 = arith.constant 0 : index
    %get3A_16 = vector.load %arg6[%get3A_14, %get3A_15] : memref<1x128xf32, #tpu.memory_space<vmem>>, vector<1x128xf32>
    %dot_general3A_17 = arith.constant dense<0.000000e+00> : vector<1x1xf32>
    %dot_general3A_18 = tpu.matmul %get3A_16, %get3A_1, %dot_general3A_17 {dimension_numbers = #tpu.dot_dimension_numbers<[1], [0], [0], [1], [0, 0, 1, 1], [], []>, transpose_lhs_hint = false} : vector<1x128xf32>, vector<128x1xf32>, vector<1x1xf32> -> vector<1x1xf32>
    %get3A_19 = arith.constant 0 : index
    %get3A_20 = arith.constant 0 : index
    %get3A_21 = vector.load %arg7[%get3A_19, %get3A_20] : memref<1x128xf32, #tpu.memory_space<vmem>>, vector<1x128xf32>
    %dot_general3A_22 = arith.constant dense<0.000000e+00> : vector<1x1xf32>
    %dot_general3A_23 = tpu.matmul %get3A_21, %get3A_4, %dot_general3A_22 {dimension_numbers = #tpu.dot_dimension_numbers<[1], [0], [0], [1], [0, 0, 1, 1], [], []>, transpose_lhs_hint = false} : vector<1x128xf32>, vector<128x1xf32>, vector<1x1xf32> -> vector<1x1xf32>
    %get3A_24 = arith.constant 0 : index
    %get3A_25 = arith.constant 0 : index
    %get3A_26 = vector.load %arg1[%get3A_24, %get3A_25] : memref<2048x640xf32, #tpu.memory_space<vmem>>, vector<2048x640xf32>
    %dot_general3A_27 = arith.constant dense<0.000000e+00> : vector<1x2048xf32>
    %dot_general3A_28 = tpu.matmul %dot_general3A_8, %get3A_26, %dot_general3A_27 {dimension_numbers = #tpu.dot_dimension_numbers<[0], [1], [1], [0], [0, 1, 1, 0], [], []>, transpose_lhs_hint = false} : vector<640x1xf32>, vector<2048x640xf32>, vector<1x2048xf32> -> vector<1x2048xf32>
    %get3A_29 = arith.constant 0 : index
    %get3A_30 = arith.constant 0 : index
    %get3A_31 = vector.load %arg2[%get3A_29, %get3A_30] : memref<2048x768xf32, #tpu.memory_space<vmem>>, vector<2048x768xf32>
    %dot_general3A_32 = arith.constant dense<0.000000e+00> : vector<1x2048xf32>
    %dot_general3A_33 = tpu.matmul %dot_general3A_13, %get3A_31, %dot_general3A_32 {dimension_numbers = #tpu.dot_dimension_numbers<[0], [1], [1], [0], [0, 1, 1, 0], [], []>, transpose_lhs_hint = false} : vector<768x1xf32>, vector<2048x768xf32>, vector<1x2048xf32> -> vector<1x2048xf32>
    %add3A = vector.broadcast %dot_general3A_18 : vector<1x1xf32> to vector<1x2048xf32>
    %add3A_34 = arith.addf %dot_general3A_28, %add3A : vector<1x2048xf32>
    %get3A_35 = arith.constant 0 : index
    %get3A_36 = arith.constant 0 : index
    %get3A_37 = vector.load %arg8[%get3A_35, %get3A_36] : memref<1x1xf32, #tpu.memory_space<vmem>>, vector<1x1xf32>
    %add3A_38 = vector.broadcast %get3A_37 : vector<1x1xf32> to vector<1x2048xf32>
    %add3A_39 = arith.addf %add3A_34, %add3A_38 : vector<1x2048xf32>
    %reshape3A = vector.shape_cast %add3A_39 : vector<1x2048xf32> to vector<1x1x2048xf32>
    %swap3A = arith.constant 0 : index
    %swap3A_40 = arith.constant 0 : index
    %swap3A_41 = arith.constant 0 : index
    %swap3A_42 = vector.load %arg9[%swap3A, %swap3A_40, %swap3A_41] : memref<1x1x2048xf32, #tpu.memory_space<vmem>>, vector<1x1x2048xf32>
    tpu.vector_store %arg9[%swap3A, %swap3A_40, %swap3A_41], %reshape3A {strides = array<i32>} : memref<1x1x2048xf32, #tpu.memory_space<vmem>>, vector<1x1x2048xf32>,
    %add3A_43 = vector.broadcast %dot_general3A_23 : vector<1x1xf32> to vector<1x2048xf32>
    %add3A_44 = arith.addf %dot_general3A_33, %add3A_43 : vector<1x2048xf32>
    %reshape3A_45 = vector.shape_cast %add3A_44 : vector<1x2048xf32> to vector<1x1x2048xf32>
    %swap3A_46 = arith.constant 0 : index
    %swap3A_47 = arith.constant 0 : index
    %swap3A_48 = arith.constant 0 : index
    %swap3A_49 = vector.load %arg10[%swap3A_46, %swap3A_47, %swap3A_48] : memref<1x1x2048xf32, #tpu.memory_space<vmem>>, vector<1x1x2048xf32>
    tpu.vector_store %arg10[%swap3A_46, %swap3A_47, %swap3A_48], %reshape3A_45 {strides = array<i32>} : memref<1x1x2048xf32, #tpu.memory_space<vmem>>, vector<1x1x2048xf32>,
    return
  }
  func.func @transform_0(%arg0: i32) -> (i32, i32) {
    %c0_i32 = arith.constant 0 : i32
    %c0_i32_0 = arith.constant 0 : i32
    return %arg0, %c0_i32 : i32, i32
  }
  func.func @transform_1(%arg0: i32) -> (i32, i32) {
    %c0_i32 = arith.constant 0 : i32
    %c0_i32_0 = arith.constant 0 : i32
    return %arg0, %c0_i32 : i32, i32
  }
  func.func @transform_2(%arg0: i32) -> (i32, i32) {
    %c0_i32 = arith.constant 0 : i32
    %c0_i32_0 = arith.constant 0 : i32
    %c0_i32_1 = arith.constant 0 : i32
    return %c0_i32, %c0_i32_0 : i32, i32
  }
  func.func @transform_3(%arg0: i32) -> (i32, i32) {
    %c0_i32 = arith.constant 0 : i32
    %c0_i32_0 = arith.constant 0 : i32
    %c0_i32_1 = arith.constant 0 : i32
    return %c0_i32, %c0_i32_0 : i32, i32
  }
  func.func @transform_4(%arg0: i32) -> (i32, i32) {
    %c0_i32 = arith.constant 0 : i32
    %c0_i32_0 = arith.constant 0 : i32
    %c0_i32_1 = arith.constant 0 : i32
    return %c0_i32, %c0_i32_0 : i32, i32
  }
  func.func @transform_5(%arg0: i32) -> (i32, i32) {
    %c0_i32 = arith.constant 0 : i32
    %c0_i32_0 = arith.constant 0 : i32
    %c0_i32_1 = arith.constant 0 : i32
    return %c0_i32, %c0_i32_0 : i32, i32
  }
  func.func @transform_6(%arg0: i32) -> (i32, i32) {
    %c0_i32 = arith.constant 0 : i32
    %c0_i32_0 = arith.constant 0 : i32
    %c0_i32_1 = arith.constant 0 : i32
    return %c0_i32, %c0_i32_0 : i32, i32
  }
  func.func @transform_7(%arg0: i32) -> (i32, i32) {
    %c0_i32 = arith.constant 0 : i32
    %c0_i32_0 = arith.constant 0 : i32
    %c0_i32_1 = arith.constant 0 : i32
    return %c0_i32, %c0_i32_0 : i32, i32
  }
  func.func @transform_8(%arg0: i32) -> (i32, i32, i32) {
    %c0_i32 = arith.constant 0 : i32
    %c0_i32_0 = arith.constant 0 : i32
    %c0_i32_1 = arith.constant 0 : i32
    return %arg0, %c0_i32, %c0_i32_0 : i32, i32, i32
  }
  func.func @transform_9(%arg0: i32) -> (i32, i32, i32) {
    %c0_i32 = arith.constant 0 : i32
    %c0_i32_0 = arith.constant 0 : i32
    %c0_i32_1 = arith.constant 0 : i32
    return %arg0, %c0_i32, %c0_i32_0 : i32, i32, i32
  }
}

</mosaic_0001>

<sc_bundles>
// kernel: kernel.4.cloned.1.call-start
scs
__scs_entry_jumppad:
0x0: {  	(pc) =	sbr.rel $0x88, $3  }
0x1: {  	(tag) =	ssettag $0x0;
	lr =	simm.s32 $0x1  }
0x2: {  	[smem:$0x3F98] =	sst lr;
	_ =	strace $0xD0000000  }
0x3: {  	_ = 	snop  }
0x4: {  	_ = 	snop  }
0x5: {  	_ = 	snop  }
0x6: {  	_ = 	snop  }
0x7: {  	_ = 	snop  }
__scs_overlays_trampoline_lowered:
0x8: {  	[smem:$0x3FA7] =	sst s0  }
0x9: {  	[smem:$0x3FA8] =	sst s1  }
0xa: {  	[smem:$0x3FA9] =	sst s2  }
0xb: {  	[smem:$0x3FAA] =	sst s3  }
0xc: {  	[smem:$0x3FAB] =	sst s4  }
0xd: {  	[smem:$0x3FAC] =	sst s5  }
0xe: {  	[smem:$0x3FAD] =	sst s6  }
0xf: {  	[smem:$0x3FAE] =	sst s7  }
0x10: {  	[smem:$0x3FAF] =	sst s8  }
0x11: {  	[smem:$0x3FB0] =	sst s9;
	s0 =	simm.s32 @!p0 $0x0  }
0x12: {  	s1 =	sld [smem:$0x3F96];
	s0 =	simm.s32 @p0 $0x1  }
0x13: {  	[smem:$0x3FB1] =	sst s0;
	s0 =	simm.s32 @!p1 $0x0  }
0x14: {  	s2 =	sld [smem:$0x3F95];
	s0 =	simm.s32 @p1 $0x1  }
0x15: {  	[smem:$0x3FB2] =	sst s0;
	s0 =	simm.s32 @!p2 $0x0  }
0x16: {  	s3 =	sld [smem:$0x3FDB];
	s0 =	simm.s32 @p2 $0x1  }
0x17: {  	s4 =	simm.s32 $0x1BF5;
	[smem:$0x3FB4] =	sst s0  }
0x18: {  	s0 =	sld [smem:$0x3F97];
	_ =	swait.ge [sflag:s4], $0x0  }
0x19: {  	s7 =	sld [smem:$0x3F98]  }
0x1a: {  	s8 =	sadd.s32 $0xFFFFE003, lr  }
0x1b: {  	s9 =	sadd.s32 $0xFFFFFEF7, lr;
	s5 =	simm.s32 $0xFFFFFFFF;
	p2 =	slt.u32 s8, $0xFFFFF086  }
0x1c: {  	p1 =	slt.u32 s9, $0xF7A;
	s5 =	simm.s32 @!p2 $0x0  }
0x1d: {  	s5 =	simm.s32 @p1 $0x1;
	p0 =	seq.s32 s7, s2  }
0x1e: {  	s7 =	smul.u32 @!p0 $0xF7A, s2;
	p2 =	seq.s32 @!p0 s5, $0x0  }
0x1f: {  	s9 =	smul.u32 $0xF7A, s1;
	s8 =	simm.s32 @!p0 $0x1BF5;
	p2 =	por !p2, p0  }
0x20: {  	[sflag:s8] =	ssyncset.s32 @!p0 $0xFFFFF086;
	s6 =	sadd.s32 @!p0 s3, s7;
	s7 =	simm.s32 @!p0 $0x108  }
0x21: {  	s3 =	sadd.s32 s3, s9;
	s6 =	sadd.s32 @!p0 $0x88, s6;
	s7 =	simm.s32 @p2 $0x1082  }
0x22: {  	[simem:s7], [sflag:s8] =	dma.local @!p0 [hbm:s6], $0xF7A  }
0x23: {  	s9 =	sor.u32 $0xD0000000, s2;
	s6 =	simm.s32 $0x108;
	_ =	swait.ge @!p0 [sflag:s8], $0x0  }
0x24: {  	s3 =	sadd.s32 $0x88, s3;
	s6 =	simm.s32 @!p1 $0x1082;
	[sflag:s4] =	ssyncset.s32 $0xFFFFF086  }
0x25: {  	[simem:s6], [sflag:s4] =	dma.local [hbm:s3], $0xF7A  }
0x26: {  	[smem:$0x3F98] =	sst s1;
	(tag) =	ssettag s2;
	_ =	strace s9  }
0x27: {  	s1 =	sld [smem:$0x3FA8]  }
0x28: {  	s2 =	sld [smem:$0x3FA9]  }
0x29: {  	s4 =	sld [smem:$0x3FAB]  }
0x2a: {  	p0 =	seq.s32 s5, $0x0;
	s5 =	sld [smem:$0x3FAC]  }
0x2b: {  	s6 =	sld [smem:$0x3FAD]  }
0x2c: {  	s7 =	sld [smem:$0x3FAE]  }
0x2d: {  	s3 =	simm.s32 $0x108;
	s8 =	sld [smem:$0x3FAF]  }
0x2e: {  	s3 =	simm.s32 @!p0 $0x1082;
	s9 =	sld [smem:$0x3FB0]  }
0x2f: {  	lr =	sadd.s32 s0, s3;
	s0 =	sld [smem:$0x3FA7]  }
0x30: {  	s3 =	sld [smem:$0x3FAA]  }
0x31: {  	[smem:$0x3FB3] =	sst s10  }
0x32: {  	s10 =	sld [smem:$0x3FB1];
	_ =	sdelay $0x3  }
0x33: {  	p0 =	seq.s32 s10, $0x1;
	s10 =	sld [smem:$0x3FB3];
	_ =	sdelay $0x3  }
0x34: {  	[smem:$0x3FB3] =	sst s10  }
0x35: {  	s10 =	sld [smem:$0x3FB2];
	_ =	sdelay $0x3  }
0x36: {  	p1 =	seq.s32 s10, $0x1;
	s10 =	sld [smem:$0x3FB3];
	_ =	sdelay $0x3  }
0x37: {  	[smem:$0x3FB3] =	sst s10  }
0x38: {  	s10 =	sld [smem:$0x3FB4]  }
0x39: {  	_ = 	snop;
	(pc) =	sbr.ind lr, $3  }
0x3a: {  	_ = 	snop  }
0x3b: {  	_ = 	snop  }
0x3c: {  	p2 =	seq.s32 s10, $0x1;
	s10 =	sld [smem:$0x3FB3]  }
0x3d: {  	_ =	shalt  }
0x3e: {  	_ =	shalt  }
0x3f: {  	_ =	shalt  }
0x40: {  	_ =	shalt  }
0x41: {  	_ =	shalt  }
0x42: {  	_ =	shalt  }
0x43: {  	_ =	shalt  }
0x44: {  	_ =	shalt  }
0x45: {  	_ =	shalt  }
0x46: {  	_ =	shalt  }
0x47: {  	_ =	shalt  }
0x48: {  	_ =	shalt  }
0x49: {  	_ =	shalt  }
0x4a: {  	_ =	shalt  }
0x4b: {  	_ =	shalt  }
0x4c: {  	_ =	shalt  }
0x4d: {  	_ =	shalt  }
0x4e: {  	_ =	shalt  }
0x4f: {  	_ =	shalt  }
0x50: {  	_ =	shalt  }
0x51: {  	_ =	shalt  }
0x52: {  	_ =	shalt  }
0x53: {  	_ =	shalt  }
0x54: {  	_ =	shalt  }
0x55: {  	_ =	shalt  }
0x56: {  	_ =	shalt  }
0x57: {  	_ =	shalt  }
0x58: {  	_ =	shalt  }
0x59: {  	_ =	shalt  }
0x5a: {  	_ =	shalt  }
0x5b: {  	_ =	shalt  }
0x5c: {  	_ =	shalt  }
0x5d: {  	_ =	shalt  }
0x5e: {  	_ =	shalt  }
0x5f: {  	_ =	shalt  }
0x60: {  	_ =	shalt  }
0x61: {  	_ =	shalt  }
0x62: {  	_ =	shalt  }
0x63: {  	_ =	shalt  }
0x64: {  	_ =	shalt  }
0x65: {  	_ =	shalt  }
0x66: {  	_ =	shalt  }
0x67: {  	_ =	shalt  }
0x68: {  	_ =	shalt  }
0x69: {  	_ =	shalt  }
0x6a: {  	_ =	shalt  }
0x6b: {  	_ =	shalt  }
0x6c: {  	_ =	shalt  }
0x6d: {  	_ =	shalt  }
0x6e: {  	_ =	shalt  }
0x6f: {  	_ =	shalt  }
0x70: {  	_ =	shalt  }
0x71: {  	_ =	shalt  }
0x72: {  	_ =	shalt  }
0x73: {  	_ =	shalt  }
0x74: {  	_ =	shalt  }
0x75: {  	_ =	shalt  }
0x76: {  	_ =	shalt  }
0x77: {  	_ =	shalt  }
0x78: {  	_ =	shalt  }
0x79: {  	_ =	shalt  }
0x7a: {  	_ =	shalt  }
0x7b: {  	_ =	shalt  }
0x7c: {  	_ =	shalt  }
0x7d: {  	_ =	shalt  }
0x7e: {  	_ =	shalt  }
0x7f: {  	_ =	shalt  }
0x80: {  	_ =	shalt  }
0x81: {  	_ =	shalt  }
0x82: {  	_ =	shalt  }
0x83: {  	_ =	shalt  }
0x84: {  	_ =	shalt  }
0x85: {  	_ =	shalt  }
0x86: {  	_ =	shalt  }
0x87: {  	_ =	shalt  }
.Lfunc_end0:
.L_simem_size_0:
called_computation_lowered:
.L_overlay_start_0:
0x88: {  	s2 =	sld [smem:$0x3FD9]  }
0x89: {  	s3 =	sld [smem:$0x3FFE];
	_ =	sdelay $0x1  }
0x8a: {  	s1 =	srdreg.scid  }
0x8b: {  	s0 =	sand.u32 $0x1, s1  }
0x8c: {  	s17 =	sshll.u32 s0, $0xA;
	s2 =	sadd.s32 s3, s2  }
0x8d: {  	s2 =	sadd.s32 s2, s17  }
0x8e: {  	[smem:$0x3FBF] =	sst s2  }
0x8f: {  	_ = 	snop  }
0x90: {  	s2 =	sld [smem:$0x3FC7]  }
0x91: {  	s18 =	sld [smem:$0x3FD0];
	(tm) =	ssettm $0x1  }
0x92: {  	s4 =	sld [smem:$0x3FFB];
	_ =	sdelay $0x3  }
0x93: {  	_ =	strace s4  }
0x94: {  	s4 =	sld [smem:$0x3FFC];
	_ =	sdelay $0x3  }
0x95: {  	_ =	strace s4  }
0x96: {  	s4 =	sld [smem:$0x3FFD];
	_ =	sdelay $0x3  }
0x97: {  	_ =	strace s4  }
0x98: {  	_ =	strace $0x8FFFFFFF  }
0x99: {  	s19 =	sld [smem:$0x3FDB];
	_ =	sdelay $0x1  }
0x9a: {  	s5 =	simm.s32 $_scs_section_size  }
0x9b: {  	s6 =	simm.s32 $_size__tile_overlayer_lowered;
	s7 =	simm.s32 $_tile_overlayer_lowered  }
0x9c: {  	s22 =	simm.s32 $0x1BFF;
	s21 =	sshll.u32 s7, $0x1;
	s4 =	sadd.s32 s5, s19  }
0x9d: {  	s8 =	simm.s32 $0x0;
	s20 =	sshll.u32 s6, $0x1;
	s6 =	sadd.s32 s21, s4  }
0x9e: {  	[timem:s8], [sflag:s22] =	dma.local [hbm:s6], s20  }
0x9f: {  	_ =	swait.ge [sflag:s22], s20  }
0xa0: {  	s5 =	ssub.s32 $0x0, s20;
	[sflag:s22] =	ssyncset.done $0x0  }
0xa1: {  	[sflag:s22] =	ssyncadd.s32 s5;
	_ =	sdelay $0x1  }
0xa2: {  	s23 =	simm.s32 $0x1B8B  }
0xa3: {  	_ =	swait.ge [sflag:s23], $0x1  }
0xa4: {  	[sflag:s23] =	ssyncset.done $0x0  }
0xa5: {  	s25 =	simm.s32 $0x1B8E;
	s24 =	sld [smem:$0x3FFE];
	[sflag:s23] =	ssyncadd.s32 $0xFFFFFFFF  }
0xa6: {  	s26 =	simm.s32 $execute0_lowered;
	[smem:$0x3FD2] =	sst s25  }
0xa7: {  	s6 =	sshll.u32 s26, $0x1;
	_ =	strace $0x80000046;
	[dreg:$0x1] =	wrdreg $0xFFFFFFFF  }
0xa8: {  	s28 =	simm.s32 $_size_execute0_lowered;
	s4 =	sadd.s32 s4, s6;
	[dreg:$0x0] =	wrdreg $0x0  }
0xa9: {  	s6 =	sshll.u32 s28, $0x1;
	[dreg:$0x2] =	wrdreg s4  }
0xaa: {  	[dreg:$0x3] =	wrdreg s6  }
0xab: {  	[dreg:$0x4] =	wrdreg $0xC0  }
0xac: {  	_ =	task [dreg:s8], $0x5FFFF  }
0xad: {  	[dreg:$0x1] =	wrdreg $0xFFFFFFFF  }
0xae: {  	[dreg:$0x0] =	wrdreg $0x60  }
0xaf: {  	[dreg:$0x2] =	wrdreg s24  }
0xb0: {  	[dreg:$0x3] =	wrdreg s2  }
0xb1: {  	[dreg:$0x4] =	wrdreg s18  }
0xb2: {  	[dreg:$0x5] =	wrdreg $0x9  }
0xb3: {  	_ =	task.clear_ibuf [dreg:s8], $0x6FFFF;
	_ =	strace $0x90000046  }
0xb4: {  	s29 =	simm.s32 $0x9;
	_ =	strace $0x80000048  }
0xb5: {  	_ =	swait.ge [sflag:s29], $0x1  }
0xb6: {  	[sflag:s29] =	ssyncadd.s32 $0xFFFFFFFF  }
0xb7: {  	_ =	strace $0x90000048  }
0xb8: {  	_ =	sfence  }
0xb9: {  	s30 =	sld [smem:$0x0];
	_ =	sdelay $0x2  }
0xba: {  	s31 =	sshll.u32 s1, $0xD;
	s1 =	sshrl.u32 s1, $0x2  }
0xbb: {  	s3 =	sand.u32 $0x4000, s31;
	s1 =	sadd.s32 s1, s30  }
0xbc: {  	s0 =	sor.u32 s3, s0;
	s1 =	sshll.u32 s1, $0x11  }
0xbd: {  	s0 =	sor.u32 s1, s0  }
0xbe: {  	s0 =	sadd.s32 $0x8F2B, s0  }
0xbf: {  	[sflag:s0] =	ssyncadd.remote.s32 $0x1  }
0xc0: {  	_ =	sfence.sel $0xFFFF  }
0xc1: {  	[dreg:$0x0] =	wrdreg $0xFFFFFFFF;
	(pc) =	sbr.abs _section_cstart, $3  }
0xc2: {  	[dreg:$0x1] =	wrdreg $0xFFFFFFFF  }
0xc3: {  	_ =	task.clear_ibuf [dreg:s8], $0x2FFFF;
	_ =	strace $0x9FFFFFFF  }
0xc4: {  	(tm) =	ssettm $0x7FFFFFFF  }
0xc5: {  	_ =	shalt  }
tec
execute0_lowered:
.L_overlay_start_1:
0x0: {  	(tag) =	ssettag $0x1  }
0x1: {  	s1 =	srdreg.scid;
	s4 =	rddreg [dreg:$0x0]  }
0x2: {  	s0 =	stileid.u32;
	s6 =	rddreg [dreg:$0x1]  }
0x3: {  	s7 =	rddreg [dreg:$0x2];
	s2 =	simm.s32 $0x0;
	s11 =	simm.s32 $0x100  }
0x4: {  	s12 =	simm.s32 $0x1;
	s5 =	sand.u32 $0x1, s1;
	s30 =	sshll.u32 s0, $0x1  }
0x5: {  	s13 =	simm.s32 $0x9F00;
	s14 =	simm.s32 $0x2;
	s3 =	sor.u32 s5, s30  }
0x6: {  	s15 =	simm.s32 $0x0;
	s1 =	rddreg [dreg:$0x3];
	s8 =	smul.u32 $0x4E, s3  }
0x7: {  	[smem:$0x7FF] =	sst s2;
	s9 =	ssub.s32 $0x2, s5;
	s3 =	smin.u32 s3, $0x4  }
0x8: {  	_ =	strace $0x80000047;
	s10 =	sshrl.u32 s9, $0x1;
	s3 =	sadd.s32 s3, s8  }
0x9: {  	s9 =	ssub.s32 s9, s10;
	s10 =	simm.s32 $0x80;
	s8 =	smin.u32 s3, $0x975  }
0xa: {  	s3 =	sadd.s32 $0x1200, s4;
	s31 =	sshll.u32 s8, $0x5;
	s8 =	sshll.u32 s8, $0x4  }
0xb: {  	s4 =	sadd.s32 $0x1800, s4;
	s5 =	sadd.s32 s6, s31;
	s7 =	sadd.s32 s7, s8  }
0xc: {  	s8 =	smax.u32 s9, $0x1;
	s9 =	simm.s32 $0x2800;
	s6 =	sadd.s32 $0x10, s5  }
.LBB2_1:
0xd: {  	[tilespmem:s2], [sflag:$0x1] =	stream.linear.gather [hbm4b:s3+s2], $0x2800, $0x38;
	[tilespmem:$0xC680] =	vst v63  }
0xe: {  	_ = 	snop  }
0xf: {  	[tilespmem:s9], [sflag:$0x1] =	stream.linear.gather [hbm4b:s4+s2], $0x2800, $0x38;
	[tilespmem:$0xC680] =	vst v63  }
0x10: {  	s16 =	simm.s32 $0x5000  }
0x11: {  	[tilespmem:s16], [sflag:$0x1] =	stream.strided.gather [hbm4b:s5+s10], $0x2780, s11, s10, $0x38;
	[tilespmem:$0xC680] =	vst v63  }
0x12: {  	s17 =	simm.s32 $0x7780  }
0x13: {  	[tilespmem:s17], [sflag:$0x1] =	stream.strided.gather [hbm4b:s6+s10], $0x2780, s11, s10, $0x38;
	[tilespmem:$0xC680] =	vst v63  }
0x14: {  	_ =	swait.ge [sflag:s12], $0x2800  }
0x15: {  	[sflag:s12] =	ssyncset.done $0x0  }
0x16: {  	[sflag:s12] =	ssyncadd.s32 $0xFFFFD800  }
0x17: {  	_ =	swait.ge [sflag:s12], $0x2800  }
0x18: {  	[sflag:s12] =	ssyncset.done $0x0  }
0x19: {  	[sflag:s12] =	ssyncadd.s32 $0xFFFFD800  }
0x1a: {  	_ =	swait.ge [sflag:s12], $0x2780  }
0x1b: {  	[sflag:s12] =	ssyncset.done $0x0  }
0x1c: {  	[sflag:s12] =	ssyncadd.s32 $0xFFFFD880  }
0x1d: {  	_ =	swait.ge [sflag:s12], $0x2780  }
0x1e: {  	[sflag:s12] =	ssyncset.done $0x0  }
0x1f: {  	s18 =	simm.s32 $0x10;
	[sflag:s12] =	ssyncadd.s32 $0xFFFFD880  }
0x20: {  	s23 =	sand.u32 $0x3F80, s2;
	s18 =	sand.u32 $0x50, s18;
	v0 =	vld [tilespmem:s16+$0x0]  }
0x21: {  	s18 =	sor.u32 s23, s18;
	v1 =	vld [tilespmem:s17+$0x0]  }
0x22: {  	s22 =	simm.s32 $0x30;
	v4 =	vld [tilespmem:s18+$0x5000]  }
0x23: {  	s25 =	simm.s32 $0x5040;
	s16 =	sand.u32 $0x70, s22;
	v5 =	vld [tilespmem:s18+$0x7780]  }
0x24: {  	s19 =	simm.s32 $0x20;
	v8 =	vld [tilespmem:s25+$0x0];
	s16 =	sor.u32 s23, s16  }
0x25: {  	s24 =	sand.u32 $0x60, s19;
	v2 =	vld [tilespmem:s16+$0x5000]  }
0x26: {  	v3 =	vld [tilespmem:s16+$0x7780];
	s16 =	sor.u32 s23, s24  }
0x27: {  	s28 =	simm.s32 $0x40;
	s30 =	simm.s32 $0x50;
	v6 =	vld [tilespmem:s16+$0x5000]  }
0x28: {  	s26 =	simm.s32 $0x77C0;
	s18 =	sand.u32 $0x50, s30;
	v7 =	vld [tilespmem:s16+$0x7780];
	s16 =	sand.u32 $0x3F80, s28  }
0x29: {  	v9 =	vld [tilespmem:s26+$0x0];
	s18 =	sor.u32 s16, s18  }
0x2a: {  	v10 =	vld [tilespmem:s18+$0x7780]  }
0x2b: {  	v0 =	vld.idx.msk [tilespmem:v0+s2+$0x0], $0xffff  }
0x2c: {  	v1 =	vld.idx.msk [tilespmem:v1+s9+$0x0], $0xffff  }
0x2d: {  	v4 =	vld.idx.msk [tilespmem:v4+s2+$0x0], $0xffff  }
0x2e: {  	v2 =	vld.idx.msk [tilespmem:v2+s2+$0x0], $0xffff  }
0x2f: {  	v3 =	vld.idx.msk [tilespmem:v3+s9+$0x0], $0xffff  }
0x30: {  	v5 =	vld.idx.msk [tilespmem:v5+s9+$0x0], $0xffff  }
0x31: {  	s29 =	simm.s32 $0x70;
	v6 =	vld.idx.msk [tilespmem:v6+s2+$0x0], $0xffff  }
0x32: {  	s17 =	sand.u32 $0x70, s29;
	v7 =	vld.idx.msk [tilespmem:v7+s9+$0x0], $0xffff  }
0x33: {  	s17 =	sor.u32 s16, s17;
	v0 =	vadd.f32 v1, v0;
	v1 =	vld.idx.msk [tilespmem:v9+s9+$0x0], $0xffff  }
0x34: {  	s31 =	simm.s32 $0x60;
	v9 =	vld [tilespmem:s17+$0x7780];
	v2 =	vadd.f32 v3, v2  }
0x35: {  	s19 =	sand.u32 $0x60, s31;
	v3 =	vld [tilespmem:s17+$0x5000];
	v0 =	vsub.f32 $0.0e+00, v0  }
0x36: {  	s16 =	sor.u32 s16, s19;
	v4 =	vadd.f32 v5, v4;
	v5 =	vld [tilespmem:s18+$0x5000];
	v2 =	vsub.f32 $0.0e+00, v2  }
0x37: {  	v11 =	vld [tilespmem:s16+$0x5000];
	v0 =	vmul.f32 $1.442695020e+00, v0  }
0x38: {  	v8 =	vld.idx.msk [tilespmem:v8+s2+$0x0], $0xffff;
	v4 =	vsub.f32 $0.0e+00, v4;
	v2 =	vmul.f32 $1.442695020e+00, v2  }
0x39: {  	s21 =	simm.s32 $0x7800;
	(erf) = vpow2.f32 v0;
	v0 =	vadd.f32 v7, v6;
	v6 =	vld [tilespmem:s16+$0x7780]  }
0x3a: {  	s20 =	simm.s32 $0x5080;
	v4 =	vmul.f32 $1.442695020e+00, v4;
	v7 =	vld [tilespmem:s21+$0x0];
	(erf) = vpow2.f32 v2  }
0x3b: {  	v2 =	vld [tilespmem:s20+$0x0];
	v0 =	vsub.f32 $0.0e+00, v0  }
0x3c: {  	(erf) = vpow2.f32 v4;
	v4 =	vld.idx.msk [tilespmem:v9+s9+$0x0], $0xffff  }
0x3d: {  	v3 =	vld.idx.msk [tilespmem:v3+s2+$0x0], $0xffff;
	v0 =	vmul.f32 $1.442695020e+00, v0  }
0x3e: {  	v5 =	vld.idx.msk [tilespmem:v5+s2+$0x0], $0xffff  }
0x3f: {  	s22 =	simm.s32 $0x80;
	s23 =	simm.s32 $0xB0;
	(erf) = vpow2.f32 v0;
	v0 =	vadd.f32 v1, v8;
	v1 =	vld.idx.msk [tilespmem:v10+s9+$0x0], $0xffff  }
0x40: {  	s17 =	sand.u32 $0x70, s23;
	s16 =	sand.u32 $0x3F80, s22;
	v8 =	vld.idx.msk [tilespmem:v11+s2+$0x0], $0xffff  }
0x41: {  	s17 =	sor.u32 s16, s17;
	v0 =	vsub.f32 $0.0e+00, v0;
	v6 =	vld.idx.msk [tilespmem:v6+s9+$0x0], $0xffff  }
0x42: {  	v11 =	vld [tilespmem:s17+$0x7780];
	v9 =	vpop (erf);
	v3 =	vadd.f32 v4, v3  }
0x43: {  	s25 =	simm.s32 $0xA0;
	s24 =	simm.s32 $0x90;
	v7 =	vld.idx.msk [tilespmem:v7+s9+$0x0], $0xffff;
	v0 =	vmul.f32 $1.442695020e+00, v0;
	v10 =	vpop (erf)  }
0x44: {  	s26 =	sand.u32 $0x60, s25;
	s18 =	sand.u32 $0x50, s24;
	v2 =	vld.idx.msk [tilespmem:v2+s2+$0x0], $0xffff;
	v3 =	vsub.f32 $0.0e+00, v3;
	v4 =	vadd.f32 $1.000000000e+00, v10  }
0x45: {  	s18 =	sor.u32 s16, s18;
	s16 =	sor.u32 s16, s26;
	v1 =	vadd.f32 v1, v5;
	v10 =	vld [tilespmem:s17+$0x5000];
	(erf) = vpow2.f32 v0;
	v0 =	vadd.f32 $1.000000000e+00, v9;
	v9 =	vpop (erf)  }
0x46: {  	v5 =	vadd.f32 $1.000000000e+00, v9;
	v6 =	vadd.f32 v6, v8;
	v8 =	vld [tilespmem:s16+$0x5000];
	(erf) = vrcp.f32 v4  }
0x47: {  	v3 =	vmul.f32 $1.442695020e+00, v3;
	v4 =	vld [tilespmem:s18+$0x5000];
	(erf) = vrcp.f32 v0  }
0x48: {  	v1 =	vsub.f32 $0.0e+00, v1;
	v0 =	vld [tilespmem:s18+$0x7780];
	v9 =	vpop (erf);
	(erf) = vrcp.f32 v5  }
0x49: {  	s28 =	simm.s32 $0x50C0;
	v5 =	vadd.f32 $1.000000000e+00, v9;
	v9 =	vld [tilespmem:s16+$0x7780];
	(erf) = vpow2.f32 v3  }
0x4a: {  	s17 =	simm.s32 $0x7840;
	v1 =	vmul.f32 $1.442695020e+00, v1;
	v3 =	vsub.f32 $0.0e+00, v6;
	v6 =	vld [tilespmem:s28+$0x0]  }
0x4b: {  	(erf) = vrcp.f32 v5;
	v5 =	vld [tilespmem:s17+$0x0]  }
0x4c: {  	v11 =	vld.idx.msk [tilespmem:v11+s9+$0x0], $0xffff;
	v3 =	vmul.f32 $1.442695020e+00, v3;
	(erf) = vpow2.f32 v1  }
0x4d: {  	v10 =	vld.idx.msk [tilespmem:v10+s2+$0x0], $0xffff  }
0x4e: {  	v1 =	vadd.f32 v7, v2;
	v12 =	vpop (erf);
	(erf) = vpow2.f32 v3;
	v8 =	vld.idx.msk [tilespmem:v8+s2+$0x0], $0xffff  }
0x4f: {  	v3 =	vld.idx.msk [tilespmem:v4+s2+$0x0], $0xffff;
	v4 =	vpop (erf)  }
0x50: {  	v1 =	vsub.f32 $0.0e+00, v1;
	v7 =	vld.idx.msk [tilespmem:v0+s9+$0x0], $0xffff;
	v13 =	vpop (erf)  }
0x51: {  	s29 =	simm.s32 $0xF0;
	s18 =	simm.s32 $0xC0;
	v9 =	vld.idx.msk [tilespmem:v9+s9+$0x0], $0xffff;
	v14 =	vpop (erf)  }
0x52: {  	s30 =	sand.u32 $0x3F80, s18;
	s16 =	sand.u32 $0x70, s29;
	v2 =	vmul.f32 $1.442695020e+00, v1;
	v0 =	vld.idx.msk [tilespmem:v6+s2+$0x0], $0xffff;
	v6 =	vpop (erf)  }
0x53: {  	s20 =	simm.s32 $0xD0;
	s21 =	sor.u32 s30, s16;
	v1 =	vld.idx.msk [tilespmem:v5+s9+$0x0], $0xffff;
	v5 =	vadd.f32 v11, v10;
	v6 =	vadd.f32 $1.000000000e+00, v6  }
0x54: {  	s20 =	sand.u32 $0x50, s20;
	(erf) = vpow2.f32 v2;
	v2 =	vld [tilespmem:s21+$0x5000];
	v11 =	vadd.f32 $1.000000000e+00, v12;
	v10 =	vpop (erf)  }
0x55: {  	s22 =	simm.s32 $0xE0;
	s16 =	simm.s32 $0x9F20;
	s20 =	sor.u32 s30, s20;
	v7 =	vadd.f32 v7, v3;
	v61 =	vpop (erf);
	v3 =	vld [tilespmem:s21+$0x7780];
	(erf) = vrcp.f32 v6;
	v6 =	vsub.f32 $0.0e+00, v5  }
0x56: {  	s31 =	sand.u32 $0x60, s22;
	[tilespmem:s16+$0x10] =	vst v4;
	v4 =	vld [tilespmem:s20+$0x5000];
	(erf) = vrcp.f32 v11;
	v11 =	vadd.f32 $1.000000000e+00, v61  }
0x57: {  	[tilespmem:s16+$0xFFFFFFE0] =	vst v13;
	s21 =	sor.u32 s30, s31;
	v63 =	vadd.f32 v9, v8;
	v5 =	vld [tilespmem:s20+$0x7780];
	v62 =	vpop (erf);
	v9 =	vsub.f32 $0.0e+00, v7;
	v15 =	vmul.f32 $1.442695020e+00, v6  }
0x58: {  	[tilespmem:s16+$0xFFFFFFF0] =	vst v14;
	v7 =	vld [tilespmem:s21+$0x5000];
	v8 =	vadd.f32 $1.000000000e+00, v62;
	(erf) = vrcp.f32 v11  }
0x59: {  	s19 =	simm.s32 $0xC;
	[tilespmem:s16+$0x0] =	vst v10;
	s20 =	simm.s32 $0x5100;
	v6 =	vld [tilespmem:s21+$0x7780];
	v10 =	vsub.f32 $0.0e+00, v63;
	v9 =	vmul.f32 $1.442695020e+00, v9;
	(erf) = vpow2.f32 v15  }
.LBB2_2:
0x5a: {  	v11 =	vld [tilespmem:s20+$0x0];
	s17 =	sadd.s32 $0x40, s17;
	(erf) = vrcp.f32 v8  }
0x5b: {  	v8 =	vld [tilespmem:s17+$0x0];
	v10 =	vmul.f32 $1.442695020e+00, v10;
	(erf) = vpow2.f32 v9  }
0x5c: {  	v2 =	vld.idx.msk [tilespmem:v2+s2+$0x0], $0xffff  }
0x5d: {  	v3 =	vld.idx.msk [tilespmem:v3+s9+$0x0], $0xffff;
	v9 =	vpop (erf);
	(erf) = vpow2.f32 v10  }
0x5e: {  	v0 =	vadd.f32 v1, v0;
	s16 =	sadd.s32 $0x40, s16;
	v4 =	vld.idx.msk [tilespmem:v4+s2+$0x0], $0xffff;
	v1 =	vpop (erf)  }
0x5f: {  	v5 =	vld.idx.msk [tilespmem:v5+s9+$0x0], $0xffff;
	[tilespmem:s16+$0x10] =	vst v1;
	v1 =	vpop (erf)  }
0x60: {  	s18 =	sadd.s32 $0x40, s18;
	v10 =	vsub.f32 $0.0e+00, v0;
	v7 =	vld.idx.msk [tilespmem:v7+s2+$0x0], $0xffff;
	[tilespmem:s16+$0xFFFFFFE0] =	vst v1  }
0x61: {  	s21 =	sadd.s32 $0x10, s18;
	s22 =	sadd.s32 $0x20, s18;
	s23 =	sadd.s32 $0x30, s18;
	v6 =	vld.idx.msk [tilespmem:v6+s9+$0x0], $0xffff;
	v1 =	vpop (erf)  }
0x62: {  	s19 =	sadd.s32 $0x4, s19;
	s24 =	sand.u32 $0x3F80, s18;
	s23 =	sand.u32 $0x70, s23;
	v12 =	vmul.f32 $1.442695020e+00, v10;
	v0 =	vld.idx.msk [tilespmem:v11+s2+$0x0], $0xffff;
	v11 =	vpop (erf);
	[tilespmem:s16+$0xFFFFFFF0] =	vst v1  }
0x63: {  	p0 =	slt.u32 s19, $0x274;
	s21 =	sand.u32 $0x50, s21;
	s23 =	sor.u32 s24, s23;
	v1 =	vld.idx.msk [tilespmem:v8+s9+$0x0], $0xffff;
	v8 =	vadd.f32 v3, v2;
	v11 =	vadd.f32 $1.000000000e+00, v11;
	v3 =	vpop (erf)  }
0x64: {  	s22 =	sand.u32 $0x60, s22;
	s21 =	sor.u32 s24, s21;
	v13 =	vadd.f32 $1.000000000e+00, v9;
	v2 =	vld [tilespmem:s23+$0x5000];
	(erf) = vpow2.f32 v12;
	v10 =	vpop (erf);
	[tilespmem:s16+$0x0] =	vst v3  }
.Ltmp0:
0x65: {  	s22 =	sor.u32 s24, s22;
	v12 =	vadd.f32 v5, v4;
	v3 =	vld [tilespmem:s23+$0x7780];
	v8 =	vsub.f32 $0.0e+00, v8;
	(erf) = vrcp.f32 v11;
	(pc) =	sbr.rel @p0 .LBB2_2-.Ltmp0, $4  }
0x66: {  	v10 =	vadd.f32 $1.000000000e+00, v10;
	v4 =	vld [tilespmem:s21+$0x5000];
	(erf) = vrcp.f32 v13;
	v9 =	vpop (erf)  }
0x67: {  	v11 =	vsub.f32 $0.0e+00, v12;
	v12 =	vadd.f32 v6, v7;
	v5 =	vld [tilespmem:s21+$0x7780];
	v13 =	vmul.f32 $1.442695020e+00, v8  }
0x68: {  	v8 =	vadd.f32 $1.000000000e+00, v9;
	v7 =	vld [tilespmem:s22+$0x5000];
	(erf) = vrcp.f32 v10  }
0x69: {  	s20 =	sadd.s32 $0x40, s20;
	v9 =	vmul.f32 $1.442695020e+00, v11;
	v10 =	vsub.f32 $0.0e+00, v12;
	v6 =	vld [tilespmem:s22+$0x7780];
	(erf) = vpow2.f32 v13  }
0x6a: {  	_ =	sdelay $0x2  }
0x6b: {  	(erf) = vrcp.f32 v8  }
0x6c: {  	v2 =	vld.idx.msk [tilespmem:v2+s2+$0x0], $0xffff;
	v37 =	vmul.f32 $1.442695020e+00, v10;
	(erf) = vpow2.f32 v9  }
0x6d: {  	v3 =	vld.idx.msk [tilespmem:v3+s9+$0x0], $0xffff  }
0x6e: {  	v4 =	vld.idx.msk [tilespmem:v4+s2+$0x0], $0xffff;
	(erf) = vpow2.f32 v37  }
0x6f: {  	v0 =	vadd.f32 v1, v0;
	v39 =	vld.idx.msk [tilespmem:v5+s9+$0x0], $0xffff;
	v38 =	vpop (erf)  }
0x70: {  	v7 =	vld.idx.msk [tilespmem:v7+s2+$0x0], $0xffff;
	v40 =	vpop (erf)  }
0x71: {  	v0 =	vsub.f32 $0.0e+00, v0;
	v6 =	vld.idx.msk [tilespmem:v6+s9+$0x0], $0xffff;
	v41 =	vpop (erf)  }
0x72: {  	v42 =	vpop (erf)  }
0x73: {  	v0 =	vmul.f32 $1.442695020e+00, v0;
	v2 =	vadd.f32 v3, v2;
	v11 =	vpop (erf)  }
0x74: {  	v8 =	vadd.f32 $1.000000000e+00, v38;
	v43 =	vadd.f32 $1.000000000e+00, v11;
	v44 =	vpop (erf)  }
0x75: {  	(erf) = vpow2.f32 v0;
	v45 =	vadd.f32 v39, v4;
	v2 =	vsub.f32 $0.0e+00, v2;
	v46 =	vpop (erf)  }
0x76: {  	v47 =	vadd.f32 v6, v7;
	(erf) = vrcp.f32 v43;
	v1 =	vadd.f32 $1.000000000e+00, v46  }
0x77: {  	v0 =	vsub.f32 $0.0e+00, v45;
	v2 =	vmul.f32 $1.442695020e+00, v2;
	(erf) = vrcp.f32 v8;
	v48 =	vpop (erf)  }
0x78: {  	v49 =	vsub.f32 $0.0e+00, v47;
	v4 =	vadd.f32 $1.000000000e+00, v48;
	(erf) = vrcp.f32 v1  }
0x79: {  	v0 =	vmul.f32 $1.442695020e+00, v0;
	(erf) = vpow2.f32 v2  }
0x7a: {  	v1 =	vmul.f32 $1.442695020e+00, v49;
	(erf) = vrcp.f32 v4  }
0x7b: {  	(erf) = vpow2.f32 v0  }
0x7c: {  	(erf) = vpow2.f32 v1;
	_ =	sdelay $0x1  }
0x7d: {  	v50 =	vpop (erf)  }
0x7e: {  	v51 =	vpop (erf)  }
0x7f: {  	v52 =	vpop (erf)  }
0x80: {  	v53 =	vpop (erf)  }
0x81: {  	v54 =	vpop (erf)  }
0x82: {  	v4 =	vadd.f32 $1.000000000e+00, v54;
	v55 =	vpop (erf)  }
0x83: {  	v0 =	vadd.f32 $1.000000000e+00, v50;
	v56 =	vpop (erf)  }
0x84: {  	(erf) = vrcp.f32 v4;
	v57 =	vadd.f32 $1.000000000e+00, v56;
	v58 =	vpop (erf)  }
0x85: {  	s16 =	sadd.s32 $0x40, s16;
	(erf) = vrcp.f32 v0;
	v59 =	vadd.f32 $1.000000000e+00, v58  }
0x86: {  	[tilespmem:s16+$0x10] =	vst v40;
	(erf) = vrcp.f32 v57  }
0x87: {  	[tilespmem:s16+$0xFFFFFFE0] =	vst v41;
	(erf) = vrcp.f32 v59  }
0x88: {  	[tilespmem:s16+$0xFFFFFFF0] =	vst v42  }
0x89: {  	[tilespmem:s16+$0x0] =	vst v44;
	s16 =	sadd.s32 $0x40, s16  }
0x8a: {  	[tilespmem:s16+$0x10] =	vst v51  }
0x8b: {  	[tilespmem:s16+$0xFFFFFFE0] =	vst v52  }
0x8c: {  	[tilespmem:s16+$0xFFFFFFF0] =	vst v53  }
0x8d: {  	[tilespmem:s16+$0x0] =	vst v55;
	s16 =	sadd.s32 $0x40, s16;
	v60 =	vpop (erf)  }
0x8e: {  	[tilespmem:s16+$0x10] =	vst v60;
	v61 =	vpop (erf)  }
0x8f: {  	s15 =	sadd.s32 $0x1, s15;
	[tilespmem:s16+$0xFFFFFFE0] =	vst v61;
	v62 =	vpop (erf)  }
0x90: {  	p0 =	sne.s32 s15, s8;
	[tilespmem:s16+$0xFFFFFFF0] =	vst v62;
	v63 =	vpop (erf)  }
.Ltmp1:
0x91: {  	[tilespmem:s16+$0x0] =	vst v63;
	(pc) =	sbr.rel @p0 .LBB2_1-.Ltmp1, $4  }
0x92: {  	[hbm4b:s7+s2] =	stream.linear.scatter [tilespmem:s13], [sflag:$0x2], $0x2780, $0x38;
	[tilespmem:$0xC680] =	vst v63  }
0x93: {  	_ =	swait.ge [sflag:s14], $0x2780  }
0x94: {  	[sflag:s14] =	ssyncset.done $0x0  }
0x95: {  	[sflag:s14] =	ssyncadd.s32 $0xFFFFD880  }
0x96: {  	_ =	sfence.sel $0x180000  }
0x97: {  	[bflag:$0x0] =	sbarrier.arrive $0xFFFF  }
0x98: {  	p0 =	sne.s32 s0, $0x0;
	_ =	strace $0x90000047  }
0x99: {  	s0 =	sadd.s32 @!p0 $0x100000, s1;
	[bflag:$0x2] =	sbarrier.arrive $0xFFFF  }
0x9a: {  	[sflag:s0] =	ssyncadd.tile.s32 @!p0 $0x1;
	_ =	shalt  }
.Lfunc_end2:
_tile_overlayer_lowered:
.L_overlay_start_2:
0x9b: {  	(tag) =	ssettag $0x2  }
0x9c: {  	s0 =	rddreg [dreg:$0x0];
	s2 =	stileid.u32  }
0x9d: {  	s1 =	rddreg [dreg:$0x1];
	p0 =	sne.s32 s2, $0x0  }
0x9e: {  	s3 =	rddreg [dreg:$0x2];
	[bflag:$0x3] =	sbarrier.arrive $0xFFFF;
	s2 =	simm.s32 @!p0 $0x1C02  }
0x9f: {  	[timem:s3], [sflag:s2] =	dma.local @!p0 [hbm:s0], s1  }
0xa0: {  	s0 =	simm.s32 @!p0 $0x2  }
0xa1: {  	_ =	swait.ge @!p0 [sflag:s0], s1  }
0xa2: {  	s1 =	ssub.s32 @!p0 $0x0, s1;
	[sflag:s0] =	ssyncset.done @!p0 $0x0  }
0xa3: {  	[sflag:s0] =	ssyncadd.s32 @!p0 s1  }
0xa4: {  	[bflag:$0x3] =	sbarrier.arrive $0xFFFF  }
0xa5: {  	_ =	shalt  }

</sc_bundles>
